<compile_context>
chip_gen: v7x
topology: tpu7x:2x2x1
jax: 0.10.2.dev20260603
libtpu: 0.0.44.dev20260713+nightly
codegen_flags: <defaults>
</compile_context>

<pallas_src>
import functools

import jax
import jax.numpy as jnp
from jax import lax
from jax.experimental import pallas as pl
from jax.experimental.pallas import tpu as pltpu
from jax.experimental.pallas import tpu_sc as plsc

_VB = 512


def _sc_gather(idx, table):
    (B,) = idx.shape
    V, D = table.shape
    info = plsc.get_sparse_core_info()
    NC, NS = info.num_cores, info.num_subcores
    NW = NC * NS
    b_per_w = B // NW
    mesh = plsc.VectorSubcoreMesh(core_axis_name="c", subcore_axis_name="s")

    @functools.partial(
        pl.kernel,
        mesh=mesh,
        out_type=jax.ShapeDtypeStruct((B, D), jnp.float32),
        scratch_types=[
            pltpu.VMEM((b_per_w,), jnp.int32),
            pltpu.VMEM((b_per_w, D), jnp.float32),
            pltpu.SemaphoreType.DMA,
        ],
    )
    def gather_kernel(idx_hbm, table_hbm, out_hbm, idx_v, rows_v, sem):
        wid = lax.axis_index("s") * NC + lax.axis_index("c")
        base = wid * b_per_w
        pltpu.sync_copy(idx_hbm.at[pl.ds(base, b_per_w)], idx_v)
        pltpu.async_copy(table_hbm.at[idx_v], rows_v, sem).wait()
        pltpu.sync_copy(rows_v, out_hbm.at[pl.ds(base, b_per_w)])

    return gather_kernel(idx, table)


def _mm_body(x_ref, pos_ref, w_ref, out_hbm, xs_ref, acc0, acc1, sem0, sem1):
    i = pl.program_id(0)
    n = pl.num_programs(0)
    VB, S = acc0.shape

    @pl.when(i == 0)
    def _():
        xs_ref[...] = (x_ref[...] + pos_ref[...]).astype(jnp.bfloat16)

    def step(acc, sem):
        @pl.when(i >= 2)
        def _():
            pltpu.make_async_copy(
                acc, out_hbm.at[pl.ds((i - 2) * VB, VB), 0, :], sem
            ).wait()

        acc[...] = lax.dot_general(
            w_ref[...].astype(jnp.bfloat16),
            xs_ref[...],
            (((1,), (1,)), ((), ())),
            preferred_element_type=jnp.float32,
        )
        pltpu.make_async_copy(
            acc, out_hbm.at[pl.ds(i * VB, VB), 0, :], sem
        ).start()

    @pl.when(i % 2 == 0)
    def _():
        step(acc0, sem0)

    @pl.when(i % 2 == 1)
    def _():
        step(acc1, sem1)

    @pl.when(i == n - 1)
    def _():
        prev_acc, prev_sem = (acc0, sem0) if (n - 2) % 2 == 0 else (acc1, sem1)
        last_acc, last_sem = (acc0, sem0) if (n - 1) % 2 == 0 else (acc1, sem1)
        pltpu.make_async_copy(
            prev_acc, out_hbm.at[pl.ds((n - 2) * VB, VB), 0, :], prev_sem
        ).wait()
        pltpu.make_async_copy(
            last_acc, out_hbm.at[pl.ds((n - 1) * VB, VB), 0, :], last_sem
        ).wait()


def _mm_t(x, pos, W_out):
    S, E = x.shape
    V = W_out.shape[0]
    n_full = V // _VB
    return pl.pallas_call(
        _mm_body,
        grid=(n_full,),
        in_specs=[
            pl.BlockSpec((S, E), lambda i: (0, 0)),
            pl.BlockSpec((S, E), lambda i: (0, 0)),
            pl.BlockSpec((_VB, E), lambda i: (i, 0)),
        ],
        out_specs=pl.BlockSpec(memory_space=pltpu.MemorySpace.HBM),
        out_shape=jax.ShapeDtypeStruct((V, 1, S), jnp.float32),
        scratch_shapes=[
            pltpu.VMEM((S, E), jnp.bfloat16),
            pltpu.VMEM((_VB, S), jnp.float32),
            pltpu.VMEM((_VB, S), jnp.float32),
            pltpu.SemaphoreType.DMA,
            pltpu.SemaphoreType.DMA,
        ],
    )(x, pos, W_out)


def _tail_body(main_ref, x_ref, pos_ref, w_ref, out_ref):
    xb = (x_ref[...] + pos_ref[...]).astype(jnp.bfloat16)
    out_ref[:, 0, :] = lax.dot_general(
        w_ref[...].astype(jnp.bfloat16),
        xb,
        (((1,), (1,)), ((), ())),
        preferred_element_type=jnp.float32,
    )


def _mm_tail(main_out, x, pos, W_out):
    S, E = x.shape
    V = W_out.shape[0]
    n_full = V // _VB
    return pl.pallas_call(
        _tail_body,
        grid=(1,),
        in_specs=[
            pl.BlockSpec(memory_space=pltpu.MemorySpace.HBM),
            pl.BlockSpec((S, E), lambda i: (0, 0)),
            pl.BlockSpec((S, E), lambda i: (0, 0)),
            pl.BlockSpec((_VB, E), lambda i: (n_full, 0)),
        ],
        out_specs=pl.BlockSpec((_VB, 1, S), lambda i: (n_full, 0, 0)),
        out_shape=jax.ShapeDtypeStruct((V, 1, S), jnp.float32),
        input_output_aliases={0: 0},
    )(main_out, x, pos, W_out)


def kernel(in_idx, tok_emb, pos_emb, W_out):
    B, S = in_idx.shape
    V, E = tok_emb.shape
    tok = _sc_gather(in_idx.reshape(-1), tok_emb)
    main = _mm_t(tok, pos_emb[:S], W_out)
    logits_t = _mm_tail(main, tok, pos_emb[:S], W_out)
    return jnp.transpose(logits_t, (1, 2, 0))

# --- scband reference (transcript-rebuilt; emitter-appended) ---
"""Pipeline reference for scband-dummy-gptmodel-54520314855461 (READ-ONLY COPY).

The authoritative reference and input builder live on the scoring server;
editing this copy changes nothing except your own understanding.
"""

import jax, jax.numpy as jnp
import numpy as np

VOCAB = 50257
CTX = 2048
EMB = 768
BATCH = 1
SEQ = 2048


def setup_inputs(seed: int = 0) -> dict:
    key = jax.random.key(seed)
    k1, k2, k3, k4 = jax.random.split(key, 4)
    in_idx = jax.random.randint(k1, (BATCH, SEQ), 0, VOCAB, dtype=jnp.int32)
    tok_emb = jax.random.normal(k2, (VOCAB, EMB), dtype=jnp.float32) * 0.02
    pos_emb = jax.random.normal(k3, (CTX, EMB), dtype=jnp.float32) * 0.02
    # out_head: nn.Linear(emb_dim, vocab_size, bias=False) -> weight [vocab, emb]
    W_out = jax.random.normal(k4, (VOCAB, EMB), dtype=jnp.float32) * 0.02
    return {"in_idx": in_idx, "tok_emb": tok_emb, "pos_emb": pos_emb, "W_out": W_out}


def reference(in_idx, tok_emb, pos_emb, W_out):
    # token embedding lookup (SparseCore gather)
    batch_size, seq_len = in_idx.shape
    token_embeds = jnp.take(tok_emb, in_idx, axis=0)           # [B, S, E]
    position_embeds = jnp.take(pos_emb, jnp.arange(seq_len), axis=0)  # [S, E]
    x = token_embeds + position_embeds[None, :, :]
    # drop_emb: dropout is identity in eval mode
    # transformer_blocks: DummyTransformerBlock.forward returns x unchanged
    # final_norm: DummyLayerNorm is a passthrough placeholder
    logits = jnp.einsum('bse,ve->bsv', x, W_out)               # out_head, no bias
    return logits

if __name__ == "__main__":
    import jax
    _d = setup_inputs()
    print(jax.jit(kernel)(*tuple(_d.values())))

</pallas_src>

<mosaic_0001>
#map = affine_map<(d0, d1) -> (0)>
#map1 = affine_map<(d0, d1) -> (0, 0)>
module attributes {stable_mosaic.version = 14 : i64} {
  func.func @gather_kernel(%arg0: i32, %arg1: i32, %arg2: memref<2048xi32, #tpu.memory_space<hbm>>, %arg3: memref<50257x768xf32, #tpu.memory_space<hbm>>, %arg4: memref<2048x768xf32, #tpu.memory_space<hbm>>, %arg5: memref<64xi32, #tpu.memory_space<vmem>>, %arg6: memref<64x768xf32, #tpu.memory_space<vmem>>, %arg7: memref<!tpu.dma_semaphore, #tpu.memory_space<semaphore_mem>>) attributes {dimension_semantics = [#tpu.dimension_semantics<core_parallel>, #tpu.dimension_semantics<subcore_parallel>], iteration_bounds = array<i64: 2, 16>, scalar_prefetch = 0 : i64, scratch_operands = 3 : i64, tpu.core_type = #tpu.core_type<sc_vector_subcore>, window_params = [{transform_indices = #map}, {transform_indices = #map1}, {transform_indices = #map1}]} {
    %mul3A = arith.constant 2 : i32
    %mul3A_0 = arith.muli %arg1, %mul3A : i32
    %add3A = arith.addi %mul3A_0, %arg0 : i32
    %mul3A_1 = arith.constant 64 : i32
    %mul3A_2 = arith.muli %add3A, %mul3A_1 : i32
    "tpu.region"() ({
      %run_scoped3A = tpu.sem_alloc : memref<!tpu.dma_semaphore, #tpu.memory_space<semaphore_mem>>
      %dma_start3A_7 = tpu.memref_slice %arg2[%mul3A_2] : memref<2048xi32, #tpu.memory_space<hbm>> -> memref<64xi32, #tpu.memory_space<hbm>>
      %dma_start3A_8 = tpu.memref_slice %arg2[%mul3A_2] : memref<2048xi32, #tpu.memory_space<hbm>> -> memref<64xi32, #tpu.memory_space<hbm>>
      tpu.enqueue_dma source(%dma_start3A_8 : memref<64xi32, #tpu.memory_space<hbm>>) target(%arg5 : memref<64xi32, #tpu.memory_space<vmem>>) target_semaphore(%run_scoped3A : memref<!tpu.dma_semaphore, #tpu.memory_space<semaphore_mem>>)
      %dma_wait3A_9 = tpu.memref_slice %arg2[%mul3A_2] : memref<2048xi32, #tpu.memory_space<hbm>> -> memref<64xi32, #tpu.memory_space<hbm>>
      %dma_wait3A_10 = tpu.memref_slice %arg2[%mul3A_2] : memref<2048xi32, #tpu.memory_space<hbm>> -> memref<64xi32, #tpu.memory_space<hbm>>
      tpu.wait_dma2 semaphore(%run_scoped3A : memref<!tpu.dma_semaphore, #tpu.memory_space<semaphore_mem>>) src(%dma_wait3A_10 : memref<64xi32, #tpu.memory_space<hbm>>) dst(%arg5 : memref<64xi32, #tpu.memory_space<vmem>>)
      tpu.yield
    }) : () -> ()
    %dma_start3A = arith.constant 0 : i32
    %dma_start3A_3 = arith.constant 0 : i32
    %dma_start3A_4 = tpu.memref_slice %arg3[%dma_start3A, %dma_start3A_3] : memref<50257x768xf32, #tpu.memory_space<hbm>> -> memref<50257x768xf32, #tpu.memory_space<hbm>>
    tpu.enqueue_indirect_dma source(%dma_start3A_4 : memref<50257x768xf32, #tpu.memory_space<hbm>>) target(%arg6 : memref<64x768xf32, #tpu.memory_space<vmem>>) offsets(%arg5 : memref<64xi32, #tpu.memory_space<vmem>>) semaphore(%arg7 : memref<!tpu.dma_semaphore, #tpu.memory_space<semaphore_mem>>)
    %dma_wait3A = arith.constant 0 : i32
    %dma_wait3A_5 = arith.constant 0 : i32
    %dma_wait3A_6 = tpu.memref_slice %arg3[%dma_wait3A, %dma_wait3A_5] : memref<50257x768xf32, #tpu.memory_space<hbm>> -> memref<50257x768xf32, #tpu.memory_space<hbm>>
    tpu.wait_indirect_dma semaphore(%arg7 : memref<!tpu.dma_semaphore, #tpu.memory_space<semaphore_mem>>) src(%dma_wait3A_6 : memref<50257x768xf32, #tpu.memory_space<hbm>>) dst(%arg6 : memref<64x768xf32, #tpu.memory_space<vmem>>)
    "tpu.region"() ({
      %run_scoped3A = tpu.sem_alloc : memref<!tpu.dma_semaphore, #tpu.memory_space<semaphore_mem>>
      %dma_start3A_7 = arith.constant 0 : i32
      %dma_start3A_8 = tpu.memref_slice %arg4[%mul3A_2, %dma_start3A_7] : memref<2048x768xf32, #tpu.memory_space<hbm>> -> memref<64x768xf32, #tpu.memory_space<hbm>>
      %dma_start3A_9 = arith.constant 0 : i32
      %dma_start3A_10 = tpu.memref_slice %arg4[%mul3A_2, %dma_start3A_9] : memref<2048x768xf32, #tpu.memory_space<hbm>> -> memref<64x768xf32, #tpu.memory_space<hbm>>
      tpu.enqueue_dma source(%arg6 : memref<64x768xf32, #tpu.memory_space<vmem>>) target(%dma_start3A_10 : memref<64x768xf32, #tpu.memory_space<hbm>>) target_semaphore(%run_scoped3A : memref<!tpu.dma_semaphore, #tpu.memory_space<semaphore_mem>>)
      %dma_wait3A_11 = arith.constant 0 : i32
      %dma_wait3A_12 = tpu.memref_slice %arg4[%mul3A_2, %dma_wait3A_11] : memref<2048x768xf32, #tpu.memory_space<hbm>> -> memref<64x768xf32, #tpu.memory_space<hbm>>
      %dma_wait3A_13 = arith.constant 0 : i32
      %dma_wait3A_14 = tpu.memref_slice %arg4[%mul3A_2, %dma_wait3A_13] : memref<2048x768xf32, #tpu.memory_space<hbm>> -> memref<64x768xf32, #tpu.memory_space<hbm>>
      tpu.wait_dma2 semaphore(%run_scoped3A : memref<!tpu.dma_semaphore, #tpu.memory_space<semaphore_mem>>) src(%arg6 : memref<64x768xf32, #tpu.memory_space<vmem>>) dst(%dma_wait3A_14 : memref<64x768xf32, #tpu.memory_space<hbm>>)
      tpu.yield
    }) : () -> ()
    return
  }
}

module attributes {stable_mosaic.version = 14 : i64} {
  func.func @_mm_body(%arg0: i32, %arg1: memref<2048x768xf32, #tpu.memory_space<vmem>>, %arg2: memref<2048x768xf32, #tpu.memory_space<vmem>>, %arg3: memref<512x768xf32, #tpu.memory_space<vmem>>, %arg4: memref<50257x1x2048xf32, #tpu.memory_space<hbm>>, %arg5: memref<2048x768xbf16, #tpu.memory_space<vmem>>, %arg6: memref<512x2048xf32, #tpu.memory_space<vmem>>, %arg7: memref<512x2048xf32, #tpu.memory_space<vmem>>, %arg8: memref<!tpu.dma_semaphore, #tpu.memory_space<semaphore_mem>>, %arg9: memref<!tpu.dma_semaphore, #tpu.memory_space<semaphore_mem>>) attributes {dimension_semantics = [#tpu.dimension_semantics<arbitrary>], iteration_bounds = array<i64: 98>, scalar_prefetch = 0 : i64, scratch_operands = 5 : i64, tpu.core_type = #tpu.core_type<tc>, window_params = [{pipeline_mode = #tpu.pipeline_mode<synchronous>, transform_indices = @transform_0, window_bounds = array<i64: 2048, 768>}, {pipeline_mode = #tpu.pipeline_mode<synchronous>, transform_indices = @transform_1, window_bounds = array<i64: 2048, 768>}, {transform_indices = @transform_2, window_bounds = array<i64: 512, 768>}, {}]} {
    %eq3A = arith.constant 0 : i32
    %eq3A_0 = arith.cmpi eq, %arg0, %eq3A : i32
    %convert_element_type3A = arith.extui %eq3A_0 : i1 to i32
    %cond3A = arith.constant 0 : i32
    %cond3A_1 = arith.cmpi ne, %convert_element_type3A, %cond3A : i32
    scf.if %cond3A_1 {
      %get3A = arith.constant 0 : index
      %get3A_42 = arith.constant 0 : index
      %get3A_43 = vector.load %arg1[%get3A, %get3A_42] : memref<2048x768xf32, #tpu.memory_space<vmem>>, vector<2048x768xf32>
      %get3A_44 = arith.constant 0 : index
      %get3A_45 = arith.constant 0 : index
      %get3A_46 = vector.load %arg2[%get3A_44, %get3A_45] : memref<2048x768xf32, #tpu.memory_space<vmem>>, vector<2048x768xf32>
      %add3A_47 = arith.addf %get3A_43, %get3A_46 : vector<2048x768xf32>
      %convert_element_type3A_48 = arith.truncf %add3A_47 : vector<2048x768xf32> to vector<2048x768xbf16>
      %swap3A = arith.constant 0 : index
      %swap3A_49 = arith.constant 0 : index
      %swap3A_50 = vector.load %arg5[%swap3A, %swap3A_49] : memref<2048x768xbf16, #tpu.memory_space<vmem>>, vector<2048x768xbf16>
      tpu.vector_store %arg5[%swap3A, %swap3A_49], %convert_element_type3A_48 {strides = array<i32>} : memref<2048x768xbf16, #tpu.memory_space<vmem>>, vector<2048x768xbf16>,
    } else {
    }
    %jit3A = arith.constant 2 : i32
    %eq3A_2 = arith.constant 0 : i32
    %eq3A_3 = arith.cmpi eq, %jit3A, %eq3A_2 : i32
    %jit3A_4 = arith.constant 1 : i32
    %select_n3A = arith.select %eq3A_3, %jit3A_4, %jit3A : i32
    %rem3A = arith.remsi %arg0, %select_n3A : i32
    %ne3A = arith.constant 0 : i32
    %ne3A_5 = arith.cmpi ne, %rem3A, %ne3A : i32
    %lt3A = arith.constant 0 : i32
    %lt3A_6 = arith.cmpi slt, %rem3A, %lt3A : i32
    %lt3A_7 = arith.constant 0 : i32
    %lt3A_8 = arith.cmpi slt, %select_n3A, %lt3A_7 : i32
    %ne3A_9 = arith.xori %lt3A_6, %lt3A_8 : i1
    %and3A = arith.andi %ne3A_9, %ne3A_5 : i1
    %add3A = arith.addi %rem3A, %select_n3A : i32
    %select_n3A_10 = arith.select %and3A, %add3A, %rem3A : i32
    %eq3A_11 = arith.constant 0 : i32
    %eq3A_12 = arith.cmpi eq, %select_n3A_10, %eq3A_11 : i32
    %convert_element_type3A_13 = arith.extui %eq3A_12 : i1 to i32
    %cond3A_14 = arith.constant 0 : i32
    %cond3A_15 = arith.cmpi ne, %convert_element_type3A_13, %cond3A_14 : i32
    scf.if %cond3A_15 {
      %ge3A = arith.constant 2 : i32
      %ge3A_42 = arith.cmpi sge, %arg0, %ge3A : i32
      %convert_element_type3A_43 = arith.extui %ge3A_42 : i1 to i32
      %cond3A_44 = arith.constant 0 : i32
      %cond3A_45 = arith.cmpi ne, %convert_element_type3A_43, %cond3A_44 : i32
      scf.if %cond3A_45 {
        %sub3A = arith.constant 2 : i32
        %sub3A_59 = arith.subi %arg0, %sub3A : i32
        %mul3A_60 = arith.constant 512 : i32
        %mul3A_61 = arith.muli %sub3A_59, %mul3A_60 : i32
        %dma_wait3A = arith.constant 0 : i32
        %dma_wait3A_62 = arith.constant 0 : i32
        %dma_wait3A_63 = tpu.memref_slice %arg4[%mul3A_61, %dma_wait3A, %dma_wait3A_62] : memref<50257x1x2048xf32, #tpu.memory_space<hbm>> -> memref<512x1x2048xf32, #tpu.memory_space<hbm>>
        %dma_wait3A_64 = tpu.memref_squeeze %dma_wait3A_63 : memref<512x1x2048xf32, #tpu.memory_space<hbm>> -> memref<512x2048xf32, #tpu.memory_space<hbm>>
        tpu.wait_dma2 semaphore(%arg8 : memref<!tpu.dma_semaphore, #tpu.memory_space<semaphore_mem>>) src(%arg6 : memref<512x2048xf32, #tpu.memory_space<vmem>>) dst(%dma_wait3A_64 : memref<512x2048xf32, #tpu.memory_space<hbm>>)
      } else {
      }
      %get3A = arith.constant 0 : index
      %get3A_46 = arith.constant 0 : index
      %get3A_47 = vector.load %arg3[%get3A, %get3A_46] : memref<512x768xf32, #tpu.memory_space<vmem>>, vector<512x768xf32>
      %convert_element_type3A_48 = arith.truncf %get3A_47 : vector<512x768xf32> to vector<512x768xbf16>
      %get3A_49 = arith.constant 0 : index
      %get3A_50 = arith.constant 0 : index
      %get3A_51 = vector.load %arg5[%get3A_49, %get3A_50] : memref<2048x768xbf16, #tpu.memory_space<vmem>>, vector<2048x768xbf16>
      %dot_general3A = arith.constant dense<0.000000e+00> : vector<512x2048xf32>
      %dot_general3A_52 = tpu.matmul %convert_element_type3A_48, %get3A_51, %dot_general3A {dimension_numbers = #tpu.dot_dimension_numbers<[1], [1], [0], [0], [0, 0, 1, 0], [], []>, transpose_lhs_hint = false} : vector<512x768xbf16>, vector<2048x768xbf16>, vector<512x2048xf32> -> vector<512x2048xf32>
      %swap3A = arith.constant 0 : index
      %swap3A_53 = arith.constant 0 : index
      %swap3A_54 = vector.load %arg6[%swap3A, %swap3A_53] : memref<512x2048xf32, #tpu.memory_space<vmem>>, vector<512x2048xf32>
      tpu.vector_store %arg6[%swap3A, %swap3A_53], %dot_general3A_52 {strides = array<i32>} : memref<512x2048xf32, #tpu.memory_space<vmem>>, vector<512x2048xf32>,
      %mul3A = arith.constant 512 : i32
      %mul3A_55 = arith.muli %arg0, %mul3A : i32
      %dma_start3A = arith.constant 0 : i32
      %dma_start3A_56 = arith.constant 0 : i32
      %dma_start3A_57 = tpu.memref_slice %arg4[%mul3A_55, %dma_start3A, %dma_start3A_56] : memref<50257x1x2048xf32, #tpu.memory_space<hbm>> -> memref<512x1x2048xf32, #tpu.memory_space<hbm>>
      %dma_start3A_58 = tpu.memref_squeeze %dma_start3A_57 : memref<512x1x2048xf32, #tpu.memory_space<hbm>> -> memref<512x2048xf32, #tpu.memory_space<hbm>>
      tpu.enqueue_dma source(%arg6 : memref<512x2048xf32, #tpu.memory_space<vmem>>) target(%dma_start3A_58 : memref<512x2048xf32, #tpu.memory_space<hbm>>) target_semaphore(%arg8 : memref<!tpu.dma_semaphore, #tpu.memory_space<semaphore_mem>>)
    } else {
    }
    %jit3A_16 = arith.constant 2 : i32
    %eq3A_17 = arith.constant 0 : i32
    %eq3A_18 = arith.cmpi eq, %jit3A_16, %eq3A_17 : i32
    %jit3A_19 = arith.constant 1 : i32
    %select_n3A_20 = arith.select %eq3A_18, %jit3A_19, %jit3A_16 : i32
    %rem3A_21 = arith.remsi %arg0, %select_n3A_20 : i32
    %ne3A_22 = arith.constant 0 : i32
    %ne3A_23 = arith.cmpi ne, %rem3A_21, %ne3A_22 : i32
    %lt3A_24 = arith.constant 0 : i32
    %lt3A_25 = arith.cmpi slt, %rem3A_21, %lt3A_24 : i32
    %lt3A_26 = arith.constant 0 : i32
    %lt3A_27 = arith.cmpi slt, %select_n3A_20, %lt3A_26 : i32
    %ne3A_28 = arith.xori %lt3A_25, %lt3A_27 : i1
    %and3A_29 = arith.andi %ne3A_28, %ne3A_23 : i1
    %add3A_30 = arith.addi %rem3A_21, %select_n3A_20 : i32
    %select_n3A_31 = arith.select %and3A_29, %add3A_30, %rem3A_21 : i32
    %eq3A_32 = arith.constant 1 : i32
    %eq3A_33 = arith.cmpi eq, %select_n3A_31, %eq3A_32 : i32
    %convert_element_type3A_34 = arith.extui %eq3A_33 : i1 to i32
    %cond3A_35 = arith.constant 0 : i32
    %cond3A_36 = arith.cmpi ne, %convert_element_type3A_34, %cond3A_35 : i32
    scf.if %cond3A_36 {
      %ge3A = arith.constant 2 : i32
      %ge3A_42 = arith.cmpi sge, %arg0, %ge3A : i32
      %convert_element_type3A_43 = arith.extui %ge3A_42 : i1 to i32
      %cond3A_44 = arith.constant 0 : i32
      %cond3A_45 = arith.cmpi ne, %convert_element_type3A_43, %cond3A_44 : i32
      scf.if %cond3A_45 {
        %sub3A = arith.constant 2 : i32
        %sub3A_59 = arith.subi %arg0, %sub3A : i32
        %mul3A_60 = arith.constant 512 : i32
        %mul3A_61 = arith.muli %sub3A_59, %mul3A_60 : i32
        %dma_wait3A = arith.constant 0 : i32
        %dma_wait3A_62 = arith.constant 0 : i32
        %dma_wait3A_63 = tpu.memref_slice %arg4[%mul3A_61, %dma_wait3A, %dma_wait3A_62] : memref<50257x1x2048xf32, #tpu.memory_space<hbm>> -> memref<512x1x2048xf32, #tpu.memory_space<hbm>>
        %dma_wait3A_64 = tpu.memref_squeeze %dma_wait3A_63 : memref<512x1x2048xf32, #tpu.memory_space<hbm>> -> memref<512x2048xf32, #tpu.memory_space<hbm>>
        tpu.wait_dma2 semaphore(%arg9 : memref<!tpu.dma_semaphore, #tpu.memory_space<semaphore_mem>>) src(%arg7 : memref<512x2048xf32, #tpu.memory_space<vmem>>) dst(%dma_wait3A_64 : memref<512x2048xf32, #tpu.memory_space<hbm>>)
      } else {
      }
      %get3A = arith.constant 0 : index
      %get3A_46 = arith.constant 0 : index
      %get3A_47 = vector.load %arg3[%get3A, %get3A_46] : memref<512x768xf32, #tpu.memory_space<vmem>>, vector<512x768xf32>
      %convert_element_type3A_48 = arith.truncf %get3A_47 : vector<512x768xf32> to vector<512x768xbf16>
      %get3A_49 = arith.constant 0 : index
      %get3A_50 = arith.constant 0 : index
      %get3A_51 = vector.load %arg5[%get3A_49, %get3A_50] : memref<2048x768xbf16, #tpu.memory_space<vmem>>, vector<2048x768xbf16>
      %dot_general3A = arith.constant dense<0.000000e+00> : vector<512x2048xf32>
      %dot_general3A_52 = tpu.matmul %convert_element_type3A_48, %get3A_51, %dot_general3A {dimension_numbers = #tpu.dot_dimension_numbers<[1], [1], [0], [0], [0, 0, 1, 0], [], []>, transpose_lhs_hint = false} : vector<512x768xbf16>, vector<2048x768xbf16>, vector<512x2048xf32> -> vector<512x2048xf32>
      %swap3A = arith.constant 0 : index
      %swap3A_53 = arith.constant 0 : index
      %swap3A_54 = vector.load %arg7[%swap3A, %swap3A_53] : memref<512x2048xf32, #tpu.memory_space<vmem>>, vector<512x2048xf32>
      tpu.vector_store %arg7[%swap3A, %swap3A_53], %dot_general3A_52 {strides = array<i32>} : memref<512x2048xf32, #tpu.memory_space<vmem>>, vector<512x2048xf32>,
      %mul3A = arith.constant 512 : i32
      %mul3A_55 = arith.muli %arg0, %mul3A : i32
      %dma_start3A = arith.constant 0 : i32
      %dma_start3A_56 = arith.constant 0 : i32
      %dma_start3A_57 = tpu.memref_slice %arg4[%mul3A_55, %dma_start3A, %dma_start3A_56] : memref<50257x1x2048xf32, #tpu.memory_space<hbm>> -> memref<512x1x2048xf32, #tpu.memory_space<hbm>>
      %dma_start3A_58 = tpu.memref_squeeze %dma_start3A_57 : memref<512x1x2048xf32, #tpu.memory_space<hbm>> -> memref<512x2048xf32, #tpu.memory_space<hbm>>
      tpu.enqueue_dma source(%arg7 : memref<512x2048xf32, #tpu.memory_space<vmem>>) target(%dma_start3A_58 : memref<512x2048xf32, #tpu.memory_space<hbm>>) target_semaphore(%arg9 : memref<!tpu.dma_semaphore, #tpu.memory_space<semaphore_mem>>)
    } else {
    }
    %eq3A_37 = arith.constant 97 : i32
    %eq3A_38 = arith.cmpi eq, %arg0, %eq3A_37 : i32
    %convert_element_type3A_39 = arith.extui %eq3A_38 : i1 to i32
    %cond3A_40 = arith.constant 0 : i32
    %cond3A_41 = arith.cmpi ne, %convert_element_type3A_39, %cond3A_40 : i32
    scf.if %cond3A_41 {
      %dma_wait3A = arith.constant 0 : i32
      %dma_wait3A_42 = arith.constant 49152 : i32
      %dma_wait3A_43 = arith.constant 0 : i32
      %dma_wait3A_44 = tpu.memref_slice %arg4[%dma_wait3A_42, %dma_wait3A, %dma_wait3A_43] : memref<50257x1x2048xf32, #tpu.memory_space<hbm>> -> memref<512x1x2048xf32, #tpu.memory_space<hbm>>
      %dma_wait3A_45 = tpu.memref_squeeze %dma_wait3A_44 : memref<512x1x2048xf32, #tpu.memory_space<hbm>> -> memref<512x2048xf32, #tpu.memory_space<hbm>>
      tpu.wait_dma2 semaphore(%arg8 : memref<!tpu.dma_semaphore, #tpu.memory_space<semaphore_mem>>) src(%arg6 : memref<512x2048xf32, #tpu.memory_space<vmem>>) dst(%dma_wait3A_45 : memref<512x2048xf32, #tpu.memory_space<hbm>>)
      %dma_wait3A_46 = arith.constant 0 : i32
      %dma_wait3A_47 = arith.constant 49664 : i32
      %dma_wait3A_48 = arith.constant 0 : i32
      %dma_wait3A_49 = tpu.memref_slice %arg4[%dma_wait3A_47, %dma_wait3A_46, %dma_wait3A_48] : memref<50257x1x2048xf32, #tpu.memory_space<hbm>> -> memref<512x1x2048xf32, #tpu.memory_space<hbm>>
      %dma_wait3A_50 = tpu.memref_squeeze %dma_wait3A_49 : memref<512x1x2048xf32, #tpu.memory_space<hbm>> -> memref<512x2048xf32, #tpu.memory_space<hbm>>
      tpu.wait_dma2 semaphore(%arg9 : memref<!tpu.dma_semaphore, #tpu.memory_space<semaphore_mem>>) src(%arg7 : memref<512x2048xf32, #tpu.memory_space<vmem>>) dst(%dma_wait3A_50 : memref<512x2048xf32, #tpu.memory_space<hbm>>)
    } else {
    }
    return
  }
  func.func @transform_0(%arg0: i32) -> (i32, i32) {
    %c0_i32 = arith.constant 0 : i32
    %c0_i32_0 = arith.constant 0 : i32
    %c0_i32_1 = arith.constant 0 : i32
    return %c0_i32, %c0_i32_0 : i32, i32
  }
  func.func @transform_1(%arg0: i32) -> (i32, i32) {
    %c0_i32 = arith.constant 0 : i32
    %c0_i32_0 = arith.constant 0 : i32
    %c0_i32_1 = arith.constant 0 : i32
    return %c0_i32, %c0_i32_0 : i32, i32
  }
  func.func @transform_2(%arg0: i32) -> (i32, i32) {
    %c0_i32 = arith.constant 0 : i32
    %c0_i32_0 = arith.constant 0 : i32
    return %arg0, %c0_i32 : i32, i32
  }
}

module attributes {stable_mosaic.version = 14 : i64} {
  func.func @_tail_body(%arg0: i32, %arg1: memref<50257x1x2048xf32, #tpu.memory_space<hbm>>, %arg2: memref<2048x768xf32, #tpu.memory_space<vmem>>, %arg3: memref<2048x768xf32, #tpu.memory_space<vmem>>, %arg4: memref<512x768xf32, #tpu.memory_space<vmem>>, %arg5: memref<512x1x2048xf32, #tpu.memory_space<vmem>>) attributes {dimension_semantics = [#tpu.dimension_semantics<arbitrary>], iteration_bounds = array<i64: 1>, scalar_prefetch = 0 : i64, scratch_operands = 0 : i64, tpu.core_type = #tpu.core_type<tc>, window_params = [{}, {pipeline_mode = #tpu.pipeline_mode<synchronous>, transform_indices = @transform_1, window_bounds = array<i64: 2048, 768>}, {pipeline_mode = #tpu.pipeline_mode<synchronous>, transform_indices = @transform_2, window_bounds = array<i64: 2048, 768>}, {transform_indices = @transform_3, window_bounds = array<i64: 512, 768>}, {transform_indices = @transform_4, window_bounds = array<i64: 512, 1, 2048>}]} {
    %get3A = arith.constant 0 : index
    %get3A_0 = arith.constant 0 : index
    %get3A_1 = vector.load %arg2[%get3A, %get3A_0] : memref<2048x768xf32, #tpu.memory_space<vmem>>, vector<2048x768xf32>
    %get3A_2 = arith.constant 0 : index
    %get3A_3 = arith.constant 0 : index
    %get3A_4 = vector.load %arg3[%get3A_2, %get3A_3] : memref<2048x768xf32, #tpu.memory_space<vmem>>, vector<2048x768xf32>
    %add3A = arith.addf %get3A_1, %get3A_4 : vector<2048x768xf32>
    %convert_element_type3A = arith.truncf %add3A : vector<2048x768xf32> to vector<2048x768xbf16>
    %get3A_5 = arith.constant 0 : index
    %get3A_6 = arith.constant 0 : index
    %get3A_7 = vector.load %arg4[%get3A_5, %get3A_6] : memref<512x768xf32, #tpu.memory_space<vmem>>, vector<512x768xf32>
    %convert_element_type3A_8 = arith.truncf %get3A_7 : vector<512x768xf32> to vector<512x768xbf16>
    %dot_general3A = arith.constant dense<0.000000e+00> : vector<512x2048xf32>
    %dot_general3A_9 = tpu.matmul %convert_element_type3A_8, %convert_element_type3A, %dot_general3A {dimension_numbers = #tpu.dot_dimension_numbers<[1], [1], [0], [0], [0, 0, 1, 0], [], []>, transpose_lhs_hint = false} : vector<512x768xbf16>, vector<2048x768xbf16>, vector<512x2048xf32> -> vector<512x2048xf32>
    %swap3A = arith.constant 0 : index
    %swap3A_10 = arith.constant 0 : index
    %swap3A_11 = arith.constant 0 : index
    %swap3A_12 = vector.load %arg5[%swap3A, %swap3A_10, %swap3A_11] : memref<512x1x2048xf32, #tpu.memory_space<vmem>>, vector<512x1x2048xf32>
    %swap3A_13 = vector.shape_cast %swap3A_12 : vector<512x1x2048xf32> to vector<512x2048xf32>
    %swap3A_14 = vector.shape_cast %dot_general3A_9 : vector<512x2048xf32> to vector<512x1x2048xf32>
    tpu.vector_store %arg5[%swap3A, %swap3A_10, %swap3A_11], %swap3A_14 {strides = array<i32>} : memref<512x1x2048xf32, #tpu.memory_space<vmem>>, vector<512x1x2048xf32>,
    return
  }
  func.func @transform_1(%arg0: i32) -> (i32, i32) {
    %c0_i32 = arith.constant 0 : i32
    %c0_i32_0 = arith.constant 0 : i32
    %c0_i32_1 = arith.constant 0 : i32
    return %c0_i32, %c0_i32_0 : i32, i32
  }
  func.func @transform_2(%arg0: i32) -> (i32, i32) {
    %c0_i32 = arith.constant 0 : i32
    %c0_i32_0 = arith.constant 0 : i32
    %c0_i32_1 = arith.constant 0 : i32
    return %c0_i32, %c0_i32_0 : i32, i32
  }
  func.func @transform_3(%arg0: i32) -> (i32, i32) {
    %c98_i32 = arith.constant 98 : i32
    %c0_i32 = arith.constant 0 : i32
    %c0_i32_0 = arith.constant 0 : i32
    return %c98_i32, %c0_i32 : i32, i32
  }
  func.func @transform_4(%arg0: i32) -> (i32, i32, i32) {
    %c98_i32 = arith.constant 98 : i32
    %c0_i32 = arith.constant 0 : i32
    %c0_i32_0 = arith.constant 0 : i32
    %c0_i32_1 = arith.constant 0 : i32
    return %c98_i32, %c0_i32, %c0_i32_0 : i32, i32, i32
  }
}

</mosaic_0001>

<sc_bundles>
// kernel: kernel.5.cloned.1.call-start
scs
__scs_entry_jumppad:
0x0: {  	(pc) =	sbr.rel $0x88, $3  }
0x1: {  	(tag) =	ssettag $0x0;
	lr =	simm.s32 $0x1  }
0x2: {  	[smem:$0x3F9D] =	sst lr;
	_ =	strace $0xD0000000  }
0x3: {  	_ = 	snop  }
0x4: {  	_ = 	snop  }
0x5: {  	_ = 	snop  }
0x6: {  	_ = 	snop  }
0x7: {  	_ = 	snop  }
__scs_overlays_trampoline_lowered:
0x8: {  	[smem:$0x3FAC] =	sst s0  }
0x9: {  	[smem:$0x3FAD] =	sst s1  }
0xa: {  	[smem:$0x3FAE] =	sst s2  }
0xb: {  	[smem:$0x3FAF] =	sst s3  }
0xc: {  	[smem:$0x3FB0] =	sst s4  }
0xd: {  	[smem:$0x3FB1] =	sst s5  }
0xe: {  	[smem:$0x3FB2] =	sst s6  }
0xf: {  	[smem:$0x3FB3] =	sst s7  }
0x10: {  	[smem:$0x3FB4] =	sst s8  }
0x11: {  	[smem:$0x3FB5] =	sst s9;
	s0 =	simm.s32 @!p0 $0x0  }
0x12: {  	s1 =	sld [smem:$0x3F9B];
	s0 =	simm.s32 @p0 $0x1  }
0x13: {  	[smem:$0x3FB6] =	sst s0;
	s0 =	simm.s32 @!p1 $0x0  }
0x14: {  	s2 =	sld [smem:$0x3F9A];
	s0 =	simm.s32 @p1 $0x1  }
0x15: {  	[smem:$0x3FB7] =	sst s0;
	s0 =	simm.s32 @!p2 $0x0  }
0x16: {  	s3 =	sld [smem:$0x3FDB];
	s0 =	simm.s32 @p2 $0x1  }
0x17: {  	s4 =	simm.s32 $0x1BF5;
	[smem:$0x3FB9] =	sst s0  }
0x18: {  	s0 =	sld [smem:$0x3F9C];
	_ =	swait.ge [sflag:s4], $0x0  }
0x19: {  	s7 =	sld [smem:$0x3F9D]  }
0x1a: {  	s8 =	sadd.s32 $0xFFFFE003, lr  }
0x1b: {  	s9 =	sadd.s32 $0xFFFFFEF7, lr;
	s5 =	simm.s32 $0xFFFFFFFF;
	p2 =	slt.u32 s8, $0xFFFFF086  }
0x1c: {  	p1 =	slt.u32 s9, $0xF7A;
	s5 =	simm.s32 @!p2 $0x0  }
0x1d: {  	s5 =	simm.s32 @p1 $0x1;
	p0 =	seq.s32 s7, s2  }
0x1e: {  	s7 =	smul.u32 @!p0 $0xF7A, s2;
	p2 =	seq.s32 @!p0 s5, $0x0  }
0x1f: {  	s9 =	smul.u32 $0xF7A, s1;
	s8 =	simm.s32 @!p0 $0x1BF5;
	p2 =	por !p2, p0  }
0x20: {  	[sflag:s8] =	ssyncset.s32 @!p0 $0xFFFFF086;
	s6 =	sadd.s32 @!p0 s3, s7;
	s7 =	simm.s32 @!p0 $0x108  }
0x21: {  	s3 =	sadd.s32 s3, s9;
	s6 =	sadd.s32 @!p0 $0x88, s6;
	s7 =	simm.s32 @p2 $0x1082  }
0x22: {  	[simem:s7], [sflag:s8] =	dma.local @!p0 [hbm:s6], $0xF7A  }
0x23: {  	s9 =	sor.u32 $0xD0000000, s2;
	s6 =	simm.s32 $0x108;
	_ =	swait.ge @!p0 [sflag:s8], $0x0  }
0x24: {  	s3 =	sadd.s32 $0x88, s3;
	s6 =	simm.s32 @!p1 $0x1082;
	[sflag:s4] =	ssyncset.s32 $0xFFFFF086  }
0x25: {  	[simem:s6], [sflag:s4] =	dma.local [hbm:s3], $0xF7A  }
0x26: {  	[smem:$0x3F9D] =	sst s1;
	(tag) =	ssettag s2;
	_ =	strace s9  }
0x27: {  	s1 =	sld [smem:$0x3FAD]  }
0x28: {  	s2 =	sld [smem:$0x3FAE]  }
0x29: {  	s4 =	sld [smem:$0x3FB0]  }
0x2a: {  	p0 =	seq.s32 s5, $0x0;
	s5 =	sld [smem:$0x3FB1]  }
0x2b: {  	s6 =	sld [smem:$0x3FB2]  }
0x2c: {  	s7 =	sld [smem:$0x3FB3]  }
0x2d: {  	s3 =	simm.s32 $0x108;
	s8 =	sld [smem:$0x3FB4]  }
0x2e: {  	s3 =	simm.s32 @!p0 $0x1082;
	s9 =	sld [smem:$0x3FB5]  }
0x2f: {  	lr =	sadd.s32 s0, s3;
	s0 =	sld [smem:$0x3FAC]  }
0x30: {  	s3 =	sld [smem:$0x3FAF]  }
0x31: {  	[smem:$0x3FB8] =	sst s10  }
0x32: {  	s10 =	sld [smem:$0x3FB6];
	_ =	sdelay $0x3  }
0x33: {  	p0 =	seq.s32 s10, $0x1;
	s10 =	sld [smem:$0x3FB8];
	_ =	sdelay $0x3  }
0x34: {  	[smem:$0x3FB8] =	sst s10  }
0x35: {  	s10 =	sld [smem:$0x3FB7];
	_ =	sdelay $0x3  }
0x36: {  	p1 =	seq.s32 s10, $0x1;
	s10 =	sld [smem:$0x3FB8];
	_ =	sdelay $0x3  }
0x37: {  	[smem:$0x3FB8] =	sst s10  }
0x38: {  	s10 =	sld [smem:$0x3FB9]  }
0x39: {  	_ = 	snop;
	(pc) =	sbr.ind lr, $3  }
0x3a: {  	_ = 	snop  }
0x3b: {  	_ = 	snop  }
0x3c: {  	p2 =	seq.s32 s10, $0x1;
	s10 =	sld [smem:$0x3FB8]  }
0x3d: {  	_ =	shalt  }
0x3e: {  	_ =	shalt  }
0x3f: {  	_ =	shalt  }
0x40: {  	_ =	shalt  }
0x41: {  	_ =	shalt  }
0x42: {  	_ =	shalt  }
0x43: {  	_ =	shalt  }
0x44: {  	_ =	shalt  }
0x45: {  	_ =	shalt  }
0x46: {  	_ =	shalt  }
0x47: {  	_ =	shalt  }
0x48: {  	_ =	shalt  }
0x49: {  	_ =	shalt  }
0x4a: {  	_ =	shalt  }
0x4b: {  	_ =	shalt  }
0x4c: {  	_ =	shalt  }
0x4d: {  	_ =	shalt  }
0x4e: {  	_ =	shalt  }
0x4f: {  	_ =	shalt  }
0x50: {  	_ =	shalt  }
0x51: {  	_ =	shalt  }
0x52: {  	_ =	shalt  }
0x53: {  	_ =	shalt  }
0x54: {  	_ =	shalt  }
0x55: {  	_ =	shalt  }
0x56: {  	_ =	shalt  }
0x57: {  	_ =	shalt  }
0x58: {  	_ =	shalt  }
0x59: {  	_ =	shalt  }
0x5a: {  	_ =	shalt  }
0x5b: {  	_ =	shalt  }
0x5c: {  	_ =	shalt  }
0x5d: {  	_ =	shalt  }
0x5e: {  	_ =	shalt  }
0x5f: {  	_ =	shalt  }
0x60: {  	_ =	shalt  }
0x61: {  	_ =	shalt  }
0x62: {  	_ =	shalt  }
0x63: {  	_ =	shalt  }
0x64: {  	_ =	shalt  }
0x65: {  	_ =	shalt  }
0x66: {  	_ =	shalt  }
0x67: {  	_ =	shalt  }
0x68: {  	_ =	shalt  }
0x69: {  	_ =	shalt  }
0x6a: {  	_ =	shalt  }
0x6b: {  	_ =	shalt  }
0x6c: {  	_ =	shalt  }
0x6d: {  	_ =	shalt  }
0x6e: {  	_ =	shalt  }
0x6f: {  	_ =	shalt  }
0x70: {  	_ =	shalt  }
0x71: {  	_ =	shalt  }
0x72: {  	_ =	shalt  }
0x73: {  	_ =	shalt  }
0x74: {  	_ =	shalt  }
0x75: {  	_ =	shalt  }
0x76: {  	_ =	shalt  }
0x77: {  	_ =	shalt  }
0x78: {  	_ =	shalt  }
0x79: {  	_ =	shalt  }
0x7a: {  	_ =	shalt  }
0x7b: {  	_ =	shalt  }
0x7c: {  	_ =	shalt  }
0x7d: {  	_ =	shalt  }
0x7e: {  	_ =	shalt  }
0x7f: {  	_ =	shalt  }
0x80: {  	_ =	shalt  }
0x81: {  	_ =	shalt  }
0x82: {  	_ =	shalt  }
0x83: {  	_ =	shalt  }
0x84: {  	_ =	shalt  }
0x85: {  	_ =	shalt  }
0x86: {  	_ =	shalt  }
0x87: {  	_ =	shalt  }
.Lfunc_end0:
.L_simem_size_0:
called_computation_lowered:
.L_overlay_start_0:
0x88: {  	s2 =	sld [smem:$0x3FD9]  }
0x89: {  	s3 =	sld [smem:$0x3FFE];
	_ =	sdelay $0x1  }
0x8a: {  	s1 =	srdreg.scid  }
0x8b: {  	s0 =	sand.u32 $0x1, s1  }
0x8c: {  	s18 =	sshll.u32 s0, $0xA;
	s2 =	sadd.s32 s3, s2  }
0x8d: {  	s2 =	sadd.s32 s2, s18  }
0x8e: {  	[smem:$0x3FC4] =	sst s2  }
0x8f: {  	_ = 	snop  }
0x90: {  	s2 =	sld [smem:$0x3FC9]  }
0x91: {  	s19 =	sld [smem:$0x3FC8]  }
0x92: {  	s4 =	sld [smem:$0x3FD0];
	(tm) =	ssettm $0x1  }
0x93: {  	s5 =	sld [smem:$0x3FFB];
	_ =	sdelay $0x3  }
0x94: {  	_ =	strace s5  }
0x95: {  	s5 =	sld [smem:$0x3FFC];
	_ =	sdelay $0x3  }
0x96: {  	_ =	strace s5  }
0x97: {  	s5 =	sld [smem:$0x3FFD];
	_ =	sdelay $0x3  }
0x98: {  	_ =	strace s5  }
0x99: {  	_ =	strace $0x8FFFFFFF  }
0x9a: {  	s20 =	sld [smem:$0x3FDB];
	_ =	sdelay $0x1  }
0x9b: {  	s6 =	simm.s32 $_scs_section_size  }
0x9c: {  	s7 =	simm.s32 $_size__tile_overlayer_lowered;
	s8 =	simm.s32 $_tile_overlayer_lowered  }
0x9d: {  	s23 =	simm.s32 $0x1BFF;
	s22 =	sshll.u32 s8, $0x1;
	s5 =	sadd.s32 s6, s20  }
0x9e: {  	s9 =	simm.s32 $0x0;
	s21 =	sshll.u32 s7, $0x1;
	s7 =	sadd.s32 s22, s5  }
0x9f: {  	[timem:s9], [sflag:s23] =	dma.local [hbm:s7], s21  }
0xa0: {  	_ =	swait.ge [sflag:s23], s21  }
0xa1: {  	s6 =	ssub.s32 $0x0, s21;
	[sflag:s23] =	ssyncset.done $0x0  }
0xa2: {  	[sflag:s23] =	ssyncadd.s32 s6;
	_ =	sdelay $0x1  }
0xa3: {  	s24 =	simm.s32 $0x1B8B  }
0xa4: {  	_ =	swait.ge [sflag:s24], $0x1  }
0xa5: {  	[sflag:s24] =	ssyncset.done $0x0  }
0xa6: {  	s25 =	simm.s32 $0x1B8E;
	[sflag:s24] =	ssyncadd.s32 $0xFFFFFFFF  }
0xa7: {  	s26 =	simm.s32 $execute0_lowered;
	[smem:$0x3FD2] =	sst s25  }
0xa8: {  	s6 =	sshll.u32 s26, $0x1;
	_ =	strace $0x80000046;
	[dreg:$0x1] =	wrdreg $0xFFFFFFFF  }
0xa9: {  	s28 =	simm.s32 $_size_execute0_lowered;
	s5 =	sadd.s32 s5, s6;
	[dreg:$0x0] =	wrdreg $0x0  }
0xaa: {  	s6 =	sshll.u32 s28, $0x1;
	[dreg:$0x2] =	wrdreg s5  }
0xab: {  	[dreg:$0x3] =	wrdreg s6  }
0xac: {  	[dreg:$0x4] =	wrdreg $0xC0  }
0xad: {  	_ =	task [dreg:s9], $0x5FFFF  }
0xae: {  	[dreg:$0x1] =	wrdreg $0xFFFFFFFF  }
0xaf: {  	[dreg:$0x0] =	wrdreg $0x60  }
0xb0: {  	[dreg:$0x2] =	wrdreg s2  }
0xb1: {  	[dreg:$0x3] =	wrdreg s19  }
0xb2: {  	[dreg:$0x4] =	wrdreg s4  }
0xb3: {  	[dreg:$0x5] =	wrdreg $0x9  }
0xb4: {  	_ =	task.clear_ibuf [dreg:s9], $0x6FFFF;
	_ =	strace $0x90000046  }
0xb5: {  	s29 =	simm.s32 $0x9;
	_ =	strace $0x80000048  }
0xb6: {  	_ =	swait.ge [sflag:s29], $0x1  }
0xb7: {  	[sflag:s29] =	ssyncadd.s32 $0xFFFFFFFF  }
0xb8: {  	_ =	strace $0x90000048  }
0xb9: {  	_ =	sfence  }
0xba: {  	s30 =	sld [smem:$0x0];
	_ =	sdelay $0x2  }
0xbb: {  	s31 =	sshll.u32 s1, $0xD;
	s1 =	sshrl.u32 s1, $0x2  }
0xbc: {  	s3 =	sand.u32 $0x4000, s31;
	s1 =	sadd.s32 s1, s30  }
0xbd: {  	s0 =	sor.u32 s3, s0;
	s1 =	sshll.u32 s1, $0x11  }
0xbe: {  	s0 =	sor.u32 s1, s0  }
0xbf: {  	s0 =	sadd.s32 $0x8F2B, s0  }
0xc0: {  	[sflag:s0] =	ssyncadd.remote.s32 $0x1  }
0xc1: {  	_ =	sfence.sel $0xFFFF  }
0xc2: {  	[dreg:$0x0] =	wrdreg $0xFFFFFFFF;
	(pc) =	sbr.abs _section_cstart, $3  }
0xc3: {  	[dreg:$0x1] =	wrdreg $0xFFFFFFFF  }
0xc4: {  	_ =	task.clear_ibuf [dreg:s9], $0x2FFFF;
	_ =	strace $0x9FFFFFFF  }
0xc5: {  	(tm) =	ssettm $0x7FFFFFFF  }
tec
execute0_lowered:
.L_overlay_start_1:
0x0: {  	(tag) =	ssettag $0x1  }
0x1: {  	s0 =	rddreg [dreg:$0x0]  }
0x2: {  	s2 =	rddreg [dreg:$0x1];
	s3 =	srdreg.scid  }
0x3: {  	s5 =	rddreg [dreg:$0x2];
	s1 =	stileid.u32  }
0x4: {  	s26 =	simm.s32 $0x880;
	s9 =	simm.s32 $0x1080;
	s10 =	simm.s32 $0x1880  }
0x5: {  	s11 =	simm.s32 $0x2080;
	s12 =	simm.s32 $0x2880;
	s13 =	simm.s32 $0x3080  }
0x6: {  	s14 =	simm.s32 $0x3880;
	s15 =	simm.s32 $0x4080;
	s16 =	simm.s32 $0x4880  }
0x7: {  	s17 =	simm.s32 $0x5080;
	s18 =	simm.s32 $0x5880;
	s19 =	simm.s32 $0x6080  }
0x8: {  	s20 =	simm.s32 $0x6880;
	s21 =	simm.s32 $0x7080;
	s22 =	simm.s32 $0x7880  }
0x9: {  	s23 =	simm.s32 $0x8080;
	s28 =	simm.s32 $0xA080;
	s29 =	simm.s32 $0xA880  }
0xa: {  	s30 =	simm.s32 $0xB080;
	s31 =	simm.s32 $0xB880;
	s4 =	sand.u32 $0x1, s3  }
0xb: {  	s6 =	sshll.u32 s1, $0x4;
	s3 =	simm.s32 $0x0;
	s7 =	sshll.u32 s4, $0x3  }
0xc: {  	s4 =	ssub.s32 $0x2, s4;
	[smem:$0x7FF] =	sst s3;
	s6 =	sor.u32 s7, s6  }
0xd: {  	s24 =	sshrl.u32 s4, $0x1;
	_ =	strace $0x80000047;
	[dreg:$0x6] =	wrdreg s26  }
0xe: {  	s26 =	simm.s32 $0x9880;
	s8 =	smul.u32 $0x300, s6;
	s7 =	ssub.s32 s4, s24  }
0xf: {  	s0 =	sadd.s32 s0, s6;
	s4 =	sadd.s32 $0x100, s2;
	s24 =	simm.s32 $0x8880  }
0x10: {  	v2 =	vlaneseq.u32;
	[dreg:$0x4] =	wrdreg s0;
	s6 =	smax.u32 s7, $0x1;
	s7 =	simm.s32 $0x2  }
0x11: {  	vm0 =	vmmov $0xffff;
	v1 =	vshrl.u32 v2, $0x3;
	s0 =	simm.s32 $0x1;
	s25 =	sadd.s32 s5, s8;
	s5 =	sadd.s32 $0x200, s2  }
0x12: {  	v0 =	vand.u32 $0x7, v2;
	v2 =	vor.u32 $0x8, v2;
	v1 =	vmul.u32 $0x8, v1;
	s8 =	simm.s32 $0x80;
	[dreg:$0x5] =	wrdreg s25;
	s25 =	simm.s32 $0x9080  }
.LBB2_1:
0x13: {  	s1 =	rddreg [dreg:$0x4]  }
0x14: {  	[tilespmem:s3], [sflag:$0x2] =	stream.linear.gather [hbm4b:s1+s3], $0x40, $0x38;
	[tilespmem:$0xC080] =	vst v63  }
0x15: {  	_ =	swait.ge [sflag:s7], $0x40  }
0x16: {  	[sflag:s7] =	ssyncset.done $0x0  }
0x17: {  	[sflag:s7] =	ssyncadd.s32 $0xFFFFFFC0  }
0x18: {  	v3 =	vld [tilespmem:$0x0];
	_ =	sdelay $0x4  }
0x19: {  	v4 =	vshrl.u32 v3, $0x3  }
0x1a: {  	v4 =	vmul.u32 $0x30, v4  }
0x1b: {  	v3 =	vand.u32 $0x7, v3  }
0x1c: {  	v3 =	vor.u32 v3, v4  }
0x1d: {  	v4 =	vperm.xlane v3, v0;
	_ =	sdelay $0x1  }
0x1e: {  	v4 =	vadd.s32 v1, v4;
	_ =	sdelay $0x3  }
0x1f: {  	v3 =	vperm.xlane v3, v2  }
0x20: {  	[tilespmem:s8], [sflag:$0x1] =	stream.indirect_vreg.gather [hbm4b:s2+s3], $0x80, v4, vm0, $0xb8;
	[tilespmem:$0xC080] =	vst v63  }
0x21: {  	s1 =	rddreg [dreg:$0x6];
	v3 =	vadd.s32 v1, v3  }
0x22: {  	[tilespmem:s1], [sflag:$0x1] =	stream.indirect_vreg.gather [hbm4b:s4+s3], $0x80, v4, vm0, $0xb8;
	[tilespmem:$0xC080] =	vst v63  }
0x23: {  	_ = 	snop  }
0x24: {  	[tilespmem:s9], [sflag:$0x1] =	stream.indirect_vreg.gather [hbm4b:s5+s3], $0x80, v4, vm0, $0xb8;
	[tilespmem:$0xC080] =	vst v63  }
0x25: {  	_ = 	snop  }
0x26: {  	[tilespmem:s10], [sflag:$0x1] =	stream.indirect_vreg.gather [hbm4b:s2+s3], $0x80, v3, vm0, $0xb8;
	[tilespmem:$0xC080] =	vst v63  }
0x27: {  	_ = 	snop  }
0x28: {  	[tilespmem:s11], [sflag:$0x1] =	stream.indirect_vreg.gather [hbm4b:s4+s3], $0x80, v3, vm0, $0xb8;
	[tilespmem:$0xC080] =	vst v63  }
0x29: {  	_ = 	snop  }
0x2a: {  	[tilespmem:s12], [sflag:$0x1] =	stream.indirect_vreg.gather [hbm4b:s5+s3], $0x80, v3, vm0, $0xb8;
	[tilespmem:$0xC080] =	vst v63  }
0x2b: {  	v3 =	vld [tilespmem:$0x10];
	_ =	sdelay $0x4  }
0x2c: {  	v61 =	vshrl.u32 v3, $0x3  }
0x2d: {  	v4 =	vmul.u32 $0x30, v61  }
0x2e: {  	v3 =	vand.u32 $0x7, v3  }
0x2f: {  	v3 =	vor.u32 v3, v4  }
0x30: {  	v4 =	vperm.xlane v3, v0;
	_ =	sdelay $0x1  }
0x31: {  	v4 =	vadd.s32 v1, v4;
	_ =	sdelay $0x3  }
0x32: {  	v3 =	vperm.xlane v3, v2  }
0x33: {  	[tilespmem:s13], [sflag:$0x1] =	stream.indirect_vreg.gather [hbm4b:s2+s3], $0x80, v4, vm0, $0xb8;
	[tilespmem:$0xC080] =	vst v63  }
0x34: {  	v3 =	vadd.s32 v1, v3  }
0x35: {  	[tilespmem:s14], [sflag:$0x1] =	stream.indirect_vreg.gather [hbm4b:s4+s3], $0x80, v4, vm0, $0xb8;
	[tilespmem:$0xC080] =	vst v63  }
0x36: {  	_ = 	snop  }
0x37: {  	[tilespmem:s15], [sflag:$0x1] =	stream.indirect_vreg.gather [hbm4b:s5+s3], $0x80, v4, vm0, $0xb8;
	[tilespmem:$0xC080] =	vst v63  }
0x38: {  	_ = 	snop  }
0x39: {  	[tilespmem:s16], [sflag:$0x1] =	stream.indirect_vreg.gather [hbm4b:s2+s3], $0x80, v3, vm0, $0xb8;
	[tilespmem:$0xC080] =	vst v63  }
0x3a: {  	_ = 	snop  }
0x3b: {  	[tilespmem:s17], [sflag:$0x1] =	stream.indirect_vreg.gather [hbm4b:s4+s3], $0x80, v3, vm0, $0xb8;
	[tilespmem:$0xC080] =	vst v63  }
0x3c: {  	_ = 	snop  }
0x3d: {  	[tilespmem:s18], [sflag:$0x1] =	stream.indirect_vreg.gather [hbm4b:s5+s3], $0x80, v3, vm0, $0xb8;
	[tilespmem:$0xC080] =	vst v63  }
0x3e: {  	v3 =	vld [tilespmem:$0x20];
	_ =	sdelay $0x4  }
0x3f: {  	v62 =	vshrl.u32 v3, $0x3  }
0x40: {  	v4 =	vmul.u32 $0x30, v62  }
0x41: {  	v3 =	vand.u32 $0x7, v3  }
0x42: {  	v3 =	vor.u32 v3, v4  }
0x43: {  	v4 =	vperm.xlane v3, v0;
	_ =	sdelay $0x1  }
0x44: {  	v4 =	vadd.s32 v1, v4;
	_ =	sdelay $0x3  }
0x45: {  	v3 =	vperm.xlane v3, v2  }
0x46: {  	[tilespmem:s19], [sflag:$0x1] =	stream.indirect_vreg.gather [hbm4b:s2+s3], $0x80, v4, vm0, $0xb8;
	[tilespmem:$0xC080] =	vst v63  }
0x47: {  	v3 =	vadd.s32 v1, v3  }
0x48: {  	[tilespmem:s20], [sflag:$0x1] =	stream.indirect_vreg.gather [hbm4b:s4+s3], $0x80, v4, vm0, $0xb8;
	[tilespmem:$0xC080] =	vst v63  }
0x49: {  	_ = 	snop  }
0x4a: {  	[tilespmem:s21], [sflag:$0x1] =	stream.indirect_vreg.gather [hbm4b:s5+s3], $0x80, v4, vm0, $0xb8;
	[tilespmem:$0xC080] =	vst v63  }
0x4b: {  	_ = 	snop  }
0x4c: {  	[tilespmem:s22], [sflag:$0x1] =	stream.indirect_vreg.gather [hbm4b:s2+s3], $0x80, v3, vm0, $0xb8;
	[tilespmem:$0xC080] =	vst v63  }
0x4d: {  	_ = 	snop  }
0x4e: {  	[tilespmem:s23], [sflag:$0x1] =	stream.indirect_vreg.gather [hbm4b:s4+s3], $0x80, v3, vm0, $0xb8;
	[tilespmem:$0xC080] =	vst v63  }
0x4f: {  	_ = 	snop  }
0x50: {  	[tilespmem:s24], [sflag:$0x1] =	stream.indirect_vreg.gather [hbm4b:s5+s3], $0x80, v3, vm0, $0xb8;
	[tilespmem:$0xC080] =	vst v63  }
0x51: {  	v3 =	vld [tilespmem:$0x30];
	_ =	sdelay $0x4  }
0x52: {  	v63 =	vshrl.u32 v3, $0x3  }
0x53: {  	v4 =	vmul.u32 $0x30, v63  }
0x54: {  	v3 =	vand.u32 $0x7, v3  }
0x55: {  	v3 =	vor.u32 v3, v4  }
0x56: {  	v4 =	vperm.xlane v3, v0;
	_ =	sdelay $0x1  }
0x57: {  	v4 =	vadd.s32 v1, v4;
	_ =	sdelay $0x3  }
0x58: {  	v3 =	vperm.xlane v3, v2  }
0x59: {  	[tilespmem:s25], [sflag:$0x1] =	stream.indirect_vreg.gather [hbm4b:s2+s3], $0x80, v4, vm0, $0xb8;
	[tilespmem:$0xC080] =	vst v63  }
0x5a: {  	v3 =	vadd.s32 v1, v3  }
0x5b: {  	[tilespmem:s26], [sflag:$0x1] =	stream.indirect_vreg.gather [hbm4b:s4+s3], $0x80, v4, vm0, $0xb8;
	[tilespmem:$0xC080] =	vst v63  }
0x5c: {  	_ = 	snop  }
0x5d: {  	[tilespmem:s28], [sflag:$0x1] =	stream.indirect_vreg.gather [hbm4b:s5+s3], $0x80, v4, vm0, $0xb8;
	[tilespmem:$0xC080] =	vst v63  }
0x5e: {  	_ = 	snop  }
0x5f: {  	[tilespmem:s29], [sflag:$0x1] =	stream.indirect_vreg.gather [hbm4b:s2+s3], $0x80, v3, vm0, $0xb8;
	[tilespmem:$0xC080] =	vst v63  }
0x60: {  	_ = 	snop  }
0x61: {  	[tilespmem:s30], [sflag:$0x1] =	stream.indirect_vreg.gather [hbm4b:s4+s3], $0x80, v3, vm0, $0xb8;
	[tilespmem:$0xC080] =	vst v63  }
0x62: {  	_ = 	snop  }
0x63: {  	[tilespmem:s31], [sflag:$0x1] =	stream.indirect_vreg.gather [hbm4b:s5+s3], $0x80, v3, vm0, $0xb8;
	[tilespmem:$0xC080] =	vst v63  }
0x64: {  	_ =	swait.ge [sflag:s0], $0xC000  }
0x65: {  	p0 =	sne.s32 s6, $0x1;
	[sflag:s0] =	ssyncset.done $0x0  }
.Ltmp0:
0x66: {  	s1 =	rddreg [dreg:$0x5];
	[sflag:s0] =	ssyncadd.s32 $0xFFFF4000;
	(pc) =	sbr.rel @p0 .LBB2_1-.Ltmp0, $4  }
0x67: {  	[hbm4b:s1+s3] =	stream.linear.scatter [tilespmem:s8], [sflag:$0x2], $0xC000, $0x38;
	[tilespmem:$0xC080] =	vst v63  }
0x68: {  	_ =	swait.ge [sflag:s7], $0xC000  }
0x69: {  	[sflag:s7] =	ssyncset.done $0x0  }
0x6a: {  	s6 =	sadd.s32 $0xFFFFFFFF, s6;
	[sflag:s7] =	ssyncadd.s32 $0xFFFF4000  }
0x6b: {  	_ =	sfence.sel $0x180000  }
0x6c: {  	[bflag:$0x0] =	sbarrier.arrive $0xFFFF  }
0x6d: {  	_ =	strace $0x90000047  }
0x6e: {  	s0 =	stileid.u32;
	[bflag:$0x2] =	sbarrier.arrive $0xFFFF  }
0x6f: {  	p0 =	sne.s32 s0, $0x0;
	s0 =	rddreg [dreg:$0x3]  }
0x70: {  	s0 =	sadd.s32 @!p0 $0x100000, s0  }
0x71: {  	[sflag:s0] =	ssyncadd.tile.s32 @!p0 $0x1;
	_ =	shalt  }
.Lfunc_end2:
_tile_overlayer_lowered:
.L_overlay_start_2:
0x72: {  	(tag) =	ssettag $0x2  }
0x73: {  	s0 =	rddreg [dreg:$0x0];
	s2 =	stileid.u32  }
0x74: {  	s1 =	rddreg [dreg:$0x1];
	p0 =	sne.s32 s2, $0x0  }
0x75: {  	s3 =	rddreg [dreg:$0x2];
	[bflag:$0x3] =	sbarrier.arrive $0xFFFF;
	s2 =	simm.s32 @!p0 $0x1C02  }
0x76: {  	[timem:s3], [sflag:s2] =	dma.local @!p0 [hbm:s0], s1  }
0x77: {  	s0 =	simm.s32 @!p0 $0x2  }
0x78: {  	_ =	swait.ge @!p0 [sflag:s0], s1  }
0x79: {  	s1 =	ssub.s32 @!p0 $0x0, s1;
	[sflag:s0] =	ssyncset.done @!p0 $0x0  }
0x7a: {  	[sflag:s0] =	ssyncadd.s32 @!p0 s1  }
0x7b: {  	[bflag:$0x3] =	sbarrier.arrive $0xFFFF  }
0x7c: {  	_ =	shalt  }

</sc_bundles>
